<compile_context>
chip_gen: v7x
topology: tpu7x:2x2x1
jax: 0.10.2.dev20260603
libtpu: 0.0.44.dev20260713+nightly
codegen_flags: <defaults>
</compile_context>

<pallas_src>
import functools

import jax
import jax.numpy as jnp
from jax import lax
from jax.experimental import pallas as pl
from jax.experimental.pallas import tpu as pltpu
from jax.experimental.pallas import tpu_sc as plsc

_L = 3


def _gather_tile_kernel(B, D):
    mesh = plsc.VectorSubcoreMesh(
        core_axis_name="c", subcore_axis_name="s", num_cores=1
    )

    r_split = (B // 2) & ~7
    splits = ((0, r_split), (r_split, B - r_split))

    @functools.partial(
        pl.kernel,
        mesh=mesh,
        out_type=jax.ShapeDtypeStruct((B, _L, D), jnp.float32),
        scratch_types=[
            pltpu.VMEM((B,), jnp.int32),
            pltpu.VMEM((B, D), jnp.float32),
            pltpu.SemaphoreType.DMA,
        ],
    )
    def gather_tile(x_hbm, idx_hbm, out_hbm, idx_v, rows_v, sem):
        wid = lax.axis_index("s")
        for half, (r0, nr) in enumerate(splits):

            @pl.when((wid >= half * _L) & (wid < (half + 1) * _L))
            def _(r0=r0, nr=nr, half=half):
                l = wid - half * _L
                idx_h = idx_v.at[pl.ds(0, nr)]
                rows_h = rows_v.at[pl.ds(0, nr)]
                pltpu.sync_copy(idx_hbm.at[pl.ds(r0, nr)], idx_h)
                pltpu.async_copy(x_hbm.at[idx_h], rows_h, sem).wait()
                pltpu.sync_copy(rows_h, out_hbm.at[pl.ds(r0, nr), l, :])

    return gather_tile


def kernel(node_feat, node_id, edge_type, norm, x_input, rel_labels, W1, b1):
    B = rel_labels.shape[0]
    D = x_input.shape[1]
    idx = rel_labels.astype(jnp.int32) + 1
    out = _gather_tile_kernel(B, D)(x_input, idx)
    return out.reshape(B, _L * D)

# --- scband reference (transcript-rebuilt; emitter-appended) ---
"""Pipeline reference for scband-uni-gcn-69561290326173 (READ-ONLY COPY).

The authoritative reference and input builder live on the scoring server;
editing this copy changes nothing except your own understanding.
"""

import jax, jax.numpy as jnp
import numpy as np

N = 10000      # total nodes in batched graph
E = 320000     # total edges
B = 50         # batch of subgraphs
D = 128        # inp_dim == emb_dim == rel_emb_dim
NUM_RELS = 237
L = 3          # num_gcn_layers
EPG = E // B   # edges per subgraph (uniform batching)
NPG = N // B   # nodes per subgraph


def setup_inputs(seed: int = 0) -> dict:
    key = jax.random.key(seed)
    k1, k2, k3, k4, k5, k6 = jax.random.split(key, 6)
    node_feat = jax.random.normal(k1, (N, D), dtype=jnp.float32)
    # ndata['id']: first node of each subgraph is the head (id=1), second the tail (id=2)
    node_id = jnp.zeros((N,), dtype=jnp.int32)
    node_id = node_id.at[jnp.arange(B) * NPG].set(1)
    node_id = node_id.at[jnp.arange(B) * NPG + 1].set(2)
    edge_type = jax.random.randint(k2, (E,), 0, NUM_RELS)
    norm = jax.random.uniform(k3, (E, 1), dtype=jnp.float32)
    x_input = jax.random.normal(k4, (NUM_RELS + 2, D), dtype=jnp.float32)
    rel_labels = jax.random.randint(k5, (B,), 0, NUM_RELS)
    # line1_ent parameters
    W1 = jax.random.normal(k6, (D, D), dtype=jnp.float32) * 0.05
    b1 = jnp.zeros((D,), dtype=jnp.float32)
    return {
        'node_feat': node_feat,
        'node_id': node_id,
        'edge_type': edge_type,
        'norm': norm,
        'x_input': x_input,
        'rel_labels': rel_labels,
        'W1': W1,
        'b1': b1,
    }


def reference(node_feat, node_id, edge_type, norm, x_input, rel_labels, W1, b1):
    index_offset = 1
    edge_types = edge_type + index_offset
    # head/tail node lookups: (g.ndata['id'] == 1).nonzero()
    head_ids = jnp.nonzero(node_id == 1, size=B)[0]
    head_embs = node_feat[head_ids]
    tail_ids = jnp.nonzero(node_id == 2, size=B)[0]
    tail_embs = node_feat[tail_ids]
    # target relation embedding per subgraph: x_input[j + 1] for j in rel_labels
    target_rel_emd = jnp.take(x_input, rel_labels + 1, axis=0)
    # per-edge relation embeddings (gather over all E edges); .detach() in torch
    edge_rel_emd = jax.lax.stop_gradient(jnp.take(x_input, edge_types, axis=0))
    # per-edge broadcast of per-graph quantities (uniform EPG edges per subgraph)
    target_rel_emd_new = jax.lax.stop_gradient(jnp.repeat(target_rel_emd, EPG, axis=0))
    head_embs_new = jnp.repeat(head_embs, EPG, axis=0)
    tail_embs_new = jnp.repeat(tail_embs, EPG, axis=0)
    # i == 0: g.ndata['feat'] = line1_ent(feat); g.edata['lg_feat'] = edge_rel_emd
    g_feats = node_feat @ W1 + b1
    # RGCN layers mutate g in place (side effect); the returned target_rel only
    # accumulates target_rel_emd across layers (no_jk == False)
    target_rel = target_rel_emd
    for i in range(1, L):
        target_rel = jnp.concatenate([target_rel, target_rel_emd], axis=1)
    del edge_rel_emd, target_rel_emd_new, head_embs_new, tail_embs_new, g_feats
    return target_rel

if __name__ == "__main__":
    import jax
    _d = setup_inputs()
    print(jax.jit(kernel)(*tuple(_d.values())))

</pallas_src>

<mosaic_0001>
#map = affine_map<(d0, d1) -> (0, 0)>
#map1 = affine_map<(d0, d1) -> (0)>
#map2 = affine_map<(d0, d1) -> (0, 0, 0)>
module attributes {stable_mosaic.version = 14 : i64} {
  func.func @gather_tile(%arg0: i32, %arg1: i32, %arg2: memref<239x128xf32, #tpu.memory_space<hbm>>, %arg3: memref<50xi32, #tpu.memory_space<hbm>>, %arg4: memref<50x3x128xf32, #tpu.memory_space<hbm>>, %arg5: memref<50xi32, #tpu.memory_space<vmem>>, %arg6: memref<50x128xf32, #tpu.memory_space<vmem>>, %arg7: memref<!tpu.dma_semaphore, #tpu.memory_space<semaphore_mem>>) attributes {dimension_semantics = [#tpu.dimension_semantics<core_parallel>, #tpu.dimension_semantics<subcore_parallel>], iteration_bounds = array<i64: 1, 16>, scalar_prefetch = 0 : i64, scratch_operands = 3 : i64, tpu.core_type = #tpu.core_type<sc_vector_subcore>, window_params = [{transform_indices = #map}, {transform_indices = #map1}, {transform_indices = #map2}]} {
    %ge3A = arith.constant 0 : i32
    %ge3A_0 = arith.cmpi sge, %arg1, %ge3A : i32
    %lt3A = arith.constant 3 : i32
    %lt3A_1 = arith.cmpi slt, %arg1, %lt3A : i32
    %and3A = arith.andi %ge3A_0, %lt3A_1 : i1
    %convert_element_type3A = arith.extui %and3A : i1 to i32
    %cond3A = arith.constant 0 : i32
    %cond3A_2 = arith.cmpi ne, %convert_element_type3A, %cond3A : i32
    scf.if %cond3A_2 {
      %sub3A = arith.constant 0 : i32
      %sub3A_11 = arith.subi %arg1, %sub3A : i32
      "tpu.region"() ({
        %run_scoped3A = tpu.sem_alloc : memref<!tpu.dma_semaphore, #tpu.memory_space<semaphore_mem>>
        %dma_start3A_26 = arith.constant 0 : i32
        %dma_start3A_27 = tpu.memref_slice %arg5[%dma_start3A_26] : memref<50xi32, #tpu.memory_space<vmem>> -> memref<24xi32, #tpu.memory_space<vmem>>
        %dma_start3A_28 = arith.constant 0 : i32
        %dma_start3A_29 = tpu.memref_slice %arg3[%dma_start3A_28] : memref<50xi32, #tpu.memory_space<hbm>> -> memref<24xi32, #tpu.memory_space<hbm>>
        %dma_start3A_30 = arith.constant 0 : i32
        %dma_start3A_31 = tpu.memref_slice %arg5[%dma_start3A_30] : memref<50xi32, #tpu.memory_space<vmem>> -> memref<24xi32, #tpu.memory_space<vmem>>
        %dma_start3A_32 = arith.constant 0 : i32
        %dma_start3A_33 = tpu.memref_slice %arg3[%dma_start3A_32] : memref<50xi32, #tpu.memory_space<hbm>> -> memref<24xi32, #tpu.memory_space<hbm>>
        tpu.enqueue_dma source(%dma_start3A_33 : memref<24xi32, #tpu.memory_space<hbm>>) target(%dma_start3A_31 : memref<24xi32, #tpu.memory_space<vmem>>) target_semaphore(%run_scoped3A : memref<!tpu.dma_semaphore, #tpu.memory_space<semaphore_mem>>)
        %dma_wait3A_34 = arith.constant 0 : i32
        %dma_wait3A_35 = tpu.memref_slice %arg5[%dma_wait3A_34] : memref<50xi32, #tpu.memory_space<vmem>> -> memref<24xi32, #tpu.memory_space<vmem>>
        %dma_wait3A_36 = arith.constant 0 : i32
        %dma_wait3A_37 = tpu.memref_slice %arg3[%dma_wait3A_36] : memref<50xi32, #tpu.memory_space<hbm>> -> memref<24xi32, #tpu.memory_space<hbm>>
        %dma_wait3A_38 = arith.constant 0 : i32
        %dma_wait3A_39 = tpu.memref_slice %arg5[%dma_wait3A_38] : memref<50xi32, #tpu.memory_space<vmem>> -> memref<24xi32, #tpu.memory_space<vmem>>
        %dma_wait3A_40 = arith.constant 0 : i32
        %dma_wait3A_41 = tpu.memref_slice %arg3[%dma_wait3A_40] : memref<50xi32, #tpu.memory_space<hbm>> -> memref<24xi32, #tpu.memory_space<hbm>>
        tpu.wait_dma2 semaphore(%run_scoped3A : memref<!tpu.dma_semaphore, #tpu.memory_space<semaphore_mem>>) src(%dma_wait3A_41 : memref<24xi32, #tpu.memory_space<hbm>>) dst(%dma_wait3A_39 : memref<24xi32, #tpu.memory_space<vmem>>)
        tpu.yield
      }) : () -> ()
      %dma_start3A = arith.constant 0 : i32
      %dma_start3A_12 = arith.constant 0 : i32
      %dma_start3A_13 = tpu.memref_slice %arg6[%dma_start3A, %dma_start3A_12] : memref<50x128xf32, #tpu.memory_space<vmem>> -> memref<24x128xf32, #tpu.memory_space<vmem>>
      %dma_start3A_14 = arith.constant 0 : i32
      %dma_start3A_15 = tpu.memref_slice %arg5[%dma_start3A_14] : memref<50xi32, #tpu.memory_space<vmem>> -> memref<24xi32, #tpu.memory_space<vmem>>
      %dma_start3A_16 = arith.constant 0 : i32
      %dma_start3A_17 = arith.constant 0 : i32
      %dma_start3A_18 = tpu.memref_slice %arg2[%dma_start3A_16, %dma_start3A_17] : memref<239x128xf32, #tpu.memory_space<hbm>> -> memref<239x128xf32, #tpu.memory_space<hbm>>
      tpu.enqueue_indirect_dma source(%dma_start3A_18 : memref<239x128xf32, #tpu.memory_space<hbm>>) target(%dma_start3A_13 : memref<24x128xf32, #tpu.memory_space<vmem>>) offsets(%dma_start3A_15 : memref<24xi32, #tpu.memory_space<vmem>>) semaphore(%arg7 : memref<!tpu.dma_semaphore, #tpu.memory_space<semaphore_mem>>)
      %dma_wait3A = arith.constant 0 : i32
      %dma_wait3A_19 = arith.constant 0 : i32
      %dma_wait3A_20 = tpu.memref_slice %arg6[%dma_wait3A, %dma_wait3A_19] : memref<50x128xf32, #tpu.memory_space<vmem>> -> memref<24x128xf32, #tpu.memory_space<vmem>>
      %dma_wait3A_21 = arith.constant 0 : i32
      %dma_wait3A_22 = tpu.memref_slice %arg5[%dma_wait3A_21] : memref<50xi32, #tpu.memory_space<vmem>> -> memref<24xi32, #tpu.memory_space<vmem>>
      %dma_wait3A_23 = arith.constant 0 : i32
      %dma_wait3A_24 = arith.constant 0 : i32
      %dma_wait3A_25 = tpu.memref_slice %arg2[%dma_wait3A_23, %dma_wait3A_24] : memref<239x128xf32, #tpu.memory_space<hbm>> -> memref<239x128xf32, #tpu.memory_space<hbm>>
      tpu.wait_indirect_dma semaphore(%arg7 : memref<!tpu.dma_semaphore, #tpu.memory_space<semaphore_mem>>) src(%dma_wait3A_25 : memref<239x128xf32, #tpu.memory_space<hbm>>) dst(%dma_wait3A_20 : memref<24x128xf32, #tpu.memory_space<vmem>>)
      "tpu.region"() ({
        %run_scoped3A = tpu.sem_alloc : memref<!tpu.dma_semaphore, #tpu.memory_space<semaphore_mem>>
        %dma_start3A_26 = arith.constant 0 : i32
        %dma_start3A_27 = arith.constant 0 : i32
        %dma_start3A_28 = tpu.memref_slice %arg6[%dma_start3A_26, %dma_start3A_27] : memref<50x128xf32, #tpu.memory_space<vmem>> -> memref<24x128xf32, #tpu.memory_space<vmem>>
        %dma_start3A_29 = arith.constant 0 : i32
        %dma_start3A_30 = arith.constant 0 : i32
        %dma_start3A_31 = tpu.memref_slice %arg4[%dma_start3A_29, %sub3A_11, %dma_start3A_30] : memref<50x3x128xf32, #tpu.memory_space<hbm>> -> memref<24x1x128xf32, #tpu.memory_space<hbm>>
        %dma_start3A_32 = tpu.memref_squeeze %dma_start3A_31 : memref<24x1x128xf32, #tpu.memory_space<hbm>> -> memref<24x128xf32, #tpu.memory_space<hbm>>
        %dma_start3A_33 = arith.constant 0 : i32
        %dma_start3A_34 = arith.constant 0 : i32
        %dma_start3A_35 = tpu.memref_slice %arg4[%dma_start3A_33, %sub3A_11, %dma_start3A_34] : memref<50x3x128xf32, #tpu.memory_space<hbm>> -> memref<24x1x128xf32, #tpu.memory_space<hbm>>
        %dma_start3A_36 = tpu.memref_squeeze %dma_start3A_35 : memref<24x1x128xf32, #tpu.memory_space<hbm>> -> memref<24x128xf32, #tpu.memory_space<hbm>>
        %dma_start3A_37 = arith.constant 0 : i32
        %dma_start3A_38 = arith.constant 0 : i32
        %dma_start3A_39 = tpu.memref_slice %arg6[%dma_start3A_37, %dma_start3A_38] : memref<50x128xf32, #tpu.memory_space<vmem>> -> memref<24x128xf32, #tpu.memory_space<vmem>>
        tpu.enqueue_dma source(%dma_start3A_39 : memref<24x128xf32, #tpu.memory_space<vmem>>) target(%dma_start3A_36 : memref<24x128xf32, #tpu.memory_space<hbm>>) target_semaphore(%run_scoped3A : memref<!tpu.dma_semaphore, #tpu.memory_space<semaphore_mem>>)
        %dma_wait3A_40 = arith.constant 0 : i32
        %dma_wait3A_41 = arith.constant 0 : i32
        %dma_wait3A_42 = tpu.memref_slice %arg6[%dma_wait3A_40, %dma_wait3A_41] : memref<50x128xf32, #tpu.memory_space<vmem>> -> memref<24x128xf32, #tpu.memory_space<vmem>>
        %dma_wait3A_43 = arith.constant 0 : i32
        %dma_wait3A_44 = arith.constant 0 : i32
        %dma_wait3A_45 = tpu.memref_slice %arg4[%dma_wait3A_43, %sub3A_11, %dma_wait3A_44] : memref<50x3x128xf32, #tpu.memory_space<hbm>> -> memref<24x1x128xf32, #tpu.memory_space<hbm>>
        %dma_wait3A_46 = tpu.memref_squeeze %dma_wait3A_45 : memref<24x1x128xf32, #tpu.memory_space<hbm>> -> memref<24x128xf32, #tpu.memory_space<hbm>>
        %dma_wait3A_47 = arith.constant 0 : i32
        %dma_wait3A_48 = arith.constant 0 : i32
        %dma_wait3A_49 = tpu.memref_slice %arg4[%dma_wait3A_47, %sub3A_11, %dma_wait3A_48] : memref<50x3x128xf32, #tpu.memory_space<hbm>> -> memref<24x1x128xf32, #tpu.memory_space<hbm>>
        %dma_wait3A_50 = tpu.memref_squeeze %dma_wait3A_49 : memref<24x1x128xf32, #tpu.memory_space<hbm>> -> memref<24x128xf32, #tpu.memory_space<hbm>>
        %dma_wait3A_51 = arith.constant 0 : i32
        %dma_wait3A_52 = arith.constant 0 : i32
        %dma_wait3A_53 = tpu.memref_slice %arg6[%dma_wait3A_51, %dma_wait3A_52] : memref<50x128xf32, #tpu.memory_space<vmem>> -> memref<24x128xf32, #tpu.memory_space<vmem>>
        tpu.wait_dma2 semaphore(%run_scoped3A : memref<!tpu.dma_semaphore, #tpu.memory_space<semaphore_mem>>) src(%dma_wait3A_53 : memref<24x128xf32, #tpu.memory_space<vmem>>) dst(%dma_wait3A_50 : memref<24x128xf32, #tpu.memory_space<hbm>>)
        tpu.yield
      }) : () -> ()
    } else {
    }
    %ge3A_3 = arith.constant 3 : i32
    %ge3A_4 = arith.cmpi sge, %arg1, %ge3A_3 : i32
    %lt3A_5 = arith.constant 6 : i32
    %lt3A_6 = arith.cmpi slt, %arg1, %lt3A_5 : i32
    %and3A_7 = arith.andi %ge3A_4, %lt3A_6 : i1
    %convert_element_type3A_8 = arith.extui %and3A_7 : i1 to i32
    %cond3A_9 = arith.constant 0 : i32
    %cond3A_10 = arith.cmpi ne, %convert_element_type3A_8, %cond3A_9 : i32
    scf.if %cond3A_10 {
      %sub3A = arith.constant 3 : i32
      %sub3A_11 = arith.subi %arg1, %sub3A : i32
      "tpu.region"() ({
        %run_scoped3A = tpu.sem_alloc : memref<!tpu.dma_semaphore, #tpu.memory_space<semaphore_mem>>
        %dma_start3A_26 = arith.constant 0 : i32
        %dma_start3A_27 = tpu.memref_slice %arg5[%dma_start3A_26] : memref<50xi32, #tpu.memory_space<vmem>> -> memref<26xi32, #tpu.memory_space<vmem>>
        %dma_start3A_28 = arith.constant 24 : i32
        %dma_start3A_29 = tpu.memref_slice %arg3[%dma_start3A_28] : memref<50xi32, #tpu.memory_space<hbm>> -> memref<26xi32, #tpu.memory_space<hbm>>
        %dma_start3A_30 = arith.constant 0 : i32
        %dma_start3A_31 = tpu.memref_slice %arg5[%dma_start3A_30] : memref<50xi32, #tpu.memory_space<vmem>> -> memref<26xi32, #tpu.memory_space<vmem>>
        %dma_start3A_32 = arith.constant 24 : i32
        %dma_start3A_33 = tpu.memref_slice %arg3[%dma_start3A_32] : memref<50xi32, #tpu.memory_space<hbm>> -> memref<26xi32, #tpu.memory_space<hbm>>
        tpu.enqueue_dma source(%dma_start3A_33 : memref<26xi32, #tpu.memory_space<hbm>>) target(%dma_start3A_31 : memref<26xi32, #tpu.memory_space<vmem>>) target_semaphore(%run_scoped3A : memref<!tpu.dma_semaphore, #tpu.memory_space<semaphore_mem>>)
        %dma_wait3A_34 = arith.constant 0 : i32
        %dma_wait3A_35 = tpu.memref_slice %arg5[%dma_wait3A_34] : memref<50xi32, #tpu.memory_space<vmem>> -> memref<26xi32, #tpu.memory_space<vmem>>
        %dma_wait3A_36 = arith.constant 24 : i32
        %dma_wait3A_37 = tpu.memref_slice %arg3[%dma_wait3A_36] : memref<50xi32, #tpu.memory_space<hbm>> -> memref<26xi32, #tpu.memory_space<hbm>>
        %dma_wait3A_38 = arith.constant 0 : i32
        %dma_wait3A_39 = tpu.memref_slice %arg5[%dma_wait3A_38] : memref<50xi32, #tpu.memory_space<vmem>> -> memref<26xi32, #tpu.memory_space<vmem>>
        %dma_wait3A_40 = arith.constant 24 : i32
        %dma_wait3A_41 = tpu.memref_slice %arg3[%dma_wait3A_40] : memref<50xi32, #tpu.memory_space<hbm>> -> memref<26xi32, #tpu.memory_space<hbm>>
        tpu.wait_dma2 semaphore(%run_scoped3A : memref<!tpu.dma_semaphore, #tpu.memory_space<semaphore_mem>>) src(%dma_wait3A_41 : memref<26xi32, #tpu.memory_space<hbm>>) dst(%dma_wait3A_39 : memref<26xi32, #tpu.memory_space<vmem>>)
        tpu.yield
      }) : () -> ()
      %dma_start3A = arith.constant 0 : i32
      %dma_start3A_12 = arith.constant 0 : i32
      %dma_start3A_13 = tpu.memref_slice %arg6[%dma_start3A, %dma_start3A_12] : memref<50x128xf32, #tpu.memory_space<vmem>> -> memref<26x128xf32, #tpu.memory_space<vmem>>
      %dma_start3A_14 = arith.constant 0 : i32
      %dma_start3A_15 = tpu.memref_slice %arg5[%dma_start3A_14] : memref<50xi32, #tpu.memory_space<vmem>> -> memref<26xi32, #tpu.memory_space<vmem>>
      %dma_start3A_16 = arith.constant 0 : i32
      %dma_start3A_17 = arith.constant 0 : i32
      %dma_start3A_18 = tpu.memref_slice %arg2[%dma_start3A_16, %dma_start3A_17] : memref<239x128xf32, #tpu.memory_space<hbm>> -> memref<239x128xf32, #tpu.memory_space<hbm>>
      tpu.enqueue_indirect_dma source(%dma_start3A_18 : memref<239x128xf32, #tpu.memory_space<hbm>>) target(%dma_start3A_13 : memref<26x128xf32, #tpu.memory_space<vmem>>) offsets(%dma_start3A_15 : memref<26xi32, #tpu.memory_space<vmem>>) semaphore(%arg7 : memref<!tpu.dma_semaphore, #tpu.memory_space<semaphore_mem>>)
      %dma_wait3A = arith.constant 0 : i32
      %dma_wait3A_19 = arith.constant 0 : i32
      %dma_wait3A_20 = tpu.memref_slice %arg6[%dma_wait3A, %dma_wait3A_19] : memref<50x128xf32, #tpu.memory_space<vmem>> -> memref<26x128xf32, #tpu.memory_space<vmem>>
      %dma_wait3A_21 = arith.constant 0 : i32
      %dma_wait3A_22 = tpu.memref_slice %arg5[%dma_wait3A_21] : memref<50xi32, #tpu.memory_space<vmem>> -> memref<26xi32, #tpu.memory_space<vmem>>
      %dma_wait3A_23 = arith.constant 0 : i32
      %dma_wait3A_24 = arith.constant 0 : i32
      %dma_wait3A_25 = tpu.memref_slice %arg2[%dma_wait3A_23, %dma_wait3A_24] : memref<239x128xf32, #tpu.memory_space<hbm>> -> memref<239x128xf32, #tpu.memory_space<hbm>>
      tpu.wait_indirect_dma semaphore(%arg7 : memref<!tpu.dma_semaphore, #tpu.memory_space<semaphore_mem>>) src(%dma_wait3A_25 : memref<239x128xf32, #tpu.memory_space<hbm>>) dst(%dma_wait3A_20 : memref<26x128xf32, #tpu.memory_space<vmem>>)
      "tpu.region"() ({
        %run_scoped3A = tpu.sem_alloc : memref<!tpu.dma_semaphore, #tpu.memory_space<semaphore_mem>>
        %dma_start3A_26 = arith.constant 0 : i32
        %dma_start3A_27 = arith.constant 0 : i32
        %dma_start3A_28 = tpu.memref_slice %arg6[%dma_start3A_26, %dma_start3A_27] : memref<50x128xf32, #tpu.memory_space<vmem>> -> memref<26x128xf32, #tpu.memory_space<vmem>>
        %dma_start3A_29 = arith.constant 24 : i32
        %dma_start3A_30 = arith.constant 0 : i32
        %dma_start3A_31 = tpu.memref_slice %arg4[%dma_start3A_29, %sub3A_11, %dma_start3A_30] : memref<50x3x128xf32, #tpu.memory_space<hbm>> -> memref<26x1x128xf32, #tpu.memory_space<hbm>>
        %dma_start3A_32 = tpu.memref_squeeze %dma_start3A_31 : memref<26x1x128xf32, #tpu.memory_space<hbm>> -> memref<26x128xf32, #tpu.memory_space<hbm>>
        %dma_start3A_33 = arith.constant 24 : i32
        %dma_start3A_34 = arith.constant 0 : i32
        %dma_start3A_35 = tpu.memref_slice %arg4[%dma_start3A_33, %sub3A_11, %dma_start3A_34] : memref<50x3x128xf32, #tpu.memory_space<hbm>> -> memref<26x1x128xf32, #tpu.memory_space<hbm>>
        %dma_start3A_36 = tpu.memref_squeeze %dma_start3A_35 : memref<26x1x128xf32, #tpu.memory_space<hbm>> -> memref<26x128xf32, #tpu.memory_space<hbm>>
        %dma_start3A_37 = arith.constant 0 : i32
        %dma_start3A_38 = arith.constant 0 : i32
        %dma_start3A_39 = tpu.memref_slice %arg6[%dma_start3A_37, %dma_start3A_38] : memref<50x128xf32, #tpu.memory_space<vmem>> -> memref<26x128xf32, #tpu.memory_space<vmem>>
        tpu.enqueue_dma source(%dma_start3A_39 : memref<26x128xf32, #tpu.memory_space<vmem>>) target(%dma_start3A_36 : memref<26x128xf32, #tpu.memory_space<hbm>>) target_semaphore(%run_scoped3A : memref<!tpu.dma_semaphore, #tpu.memory_space<semaphore_mem>>)
        %dma_wait3A_40 = arith.constant 0 : i32
        %dma_wait3A_41 = arith.constant 0 : i32
        %dma_wait3A_42 = tpu.memref_slice %arg6[%dma_wait3A_40, %dma_wait3A_41] : memref<50x128xf32, #tpu.memory_space<vmem>> -> memref<26x128xf32, #tpu.memory_space<vmem>>
        %dma_wait3A_43 = arith.constant 24 : i32
        %dma_wait3A_44 = arith.constant 0 : i32
        %dma_wait3A_45 = tpu.memref_slice %arg4[%dma_wait3A_43, %sub3A_11, %dma_wait3A_44] : memref<50x3x128xf32, #tpu.memory_space<hbm>> -> memref<26x1x128xf32, #tpu.memory_space<hbm>>
        %dma_wait3A_46 = tpu.memref_squeeze %dma_wait3A_45 : memref<26x1x128xf32, #tpu.memory_space<hbm>> -> memref<26x128xf32, #tpu.memory_space<hbm>>
        %dma_wait3A_47 = arith.constant 24 : i32
        %dma_wait3A_48 = arith.constant 0 : i32
        %dma_wait3A_49 = tpu.memref_slice %arg4[%dma_wait3A_47, %sub3A_11, %dma_wait3A_48] : memref<50x3x128xf32, #tpu.memory_space<hbm>> -> memref<26x1x128xf32, #tpu.memory_space<hbm>>
        %dma_wait3A_50 = tpu.memref_squeeze %dma_wait3A_49 : memref<26x1x128xf32, #tpu.memory_space<hbm>> -> memref<26x128xf32, #tpu.memory_space<hbm>>
        %dma_wait3A_51 = arith.constant 0 : i32
        %dma_wait3A_52 = arith.constant 0 : i32
        %dma_wait3A_53 = tpu.memref_slice %arg6[%dma_wait3A_51, %dma_wait3A_52] : memref<50x128xf32, #tpu.memory_space<vmem>> -> memref<26x128xf32, #tpu.memory_space<vmem>>
        tpu.wait_dma2 semaphore(%run_scoped3A : memref<!tpu.dma_semaphore, #tpu.memory_space<semaphore_mem>>) src(%dma_wait3A_53 : memref<26x128xf32, #tpu.memory_space<vmem>>) dst(%dma_wait3A_50 : memref<26x128xf32, #tpu.memory_space<hbm>>)
        tpu.yield
      }) : () -> ()
    } else {
    }
    return
  }
}

</mosaic_0001>

<sc_bundles>
// kernel: kernel.3.cloned.1.call-start
scs
__scs_entry_jumppad:
0x0: {  	(pc) =	sbr.rel $0x88, $3  }
0x1: {  	(tag) =	ssettag $0x0;
	lr =	simm.s32 $0x1  }
0x2: {  	[smem:$0x3F9F] =	sst lr;
	_ =	strace $0xD0000000  }
0x3: {  	_ = 	snop  }
0x4: {  	_ = 	snop  }
0x5: {  	_ = 	snop  }
0x6: {  	_ = 	snop  }
0x7: {  	_ = 	snop  }
__scs_overlays_trampoline_lowered:
0x8: {  	[smem:$0x3FAE] =	sst s0  }
0x9: {  	[smem:$0x3FAF] =	sst s1  }
0xa: {  	[smem:$0x3FB0] =	sst s2  }
0xb: {  	[smem:$0x3FB1] =	sst s3  }
0xc: {  	[smem:$0x3FB2] =	sst s4  }
0xd: {  	[smem:$0x3FB3] =	sst s5  }
0xe: {  	[smem:$0x3FB4] =	sst s6  }
0xf: {  	[smem:$0x3FB5] =	sst s7  }
0x10: {  	[smem:$0x3FB6] =	sst s8  }
0x11: {  	[smem:$0x3FB7] =	sst s9;
	s0 =	simm.s32 @!p0 $0x0  }
0x12: {  	s1 =	sld [smem:$0x3F9D];
	s0 =	simm.s32 @p0 $0x1  }
0x13: {  	[smem:$0x3FB8] =	sst s0;
	s0 =	simm.s32 @!p1 $0x0  }
0x14: {  	s2 =	sld [smem:$0x3F9C];
	s0 =	simm.s32 @p1 $0x1  }
0x15: {  	[smem:$0x3FB9] =	sst s0;
	s0 =	simm.s32 @!p2 $0x0  }
0x16: {  	s3 =	sld [smem:$0x3FDB];
	s0 =	simm.s32 @p2 $0x1  }
0x17: {  	s4 =	simm.s32 $0x1BF5;
	[smem:$0x3FBB] =	sst s0  }
0x18: {  	s0 =	sld [smem:$0x3F9E];
	_ =	swait.ge [sflag:s4], $0x0  }
0x19: {  	s7 =	sld [smem:$0x3F9F]  }
0x1a: {  	s8 =	sadd.s32 $0xFFFFE003, lr  }
0x1b: {  	s9 =	sadd.s32 $0xFFFFFEF7, lr;
	s5 =	simm.s32 $0xFFFFFFFF;
	p2 =	slt.u32 s8, $0xFFFFF086  }
0x1c: {  	p1 =	slt.u32 s9, $0xF7A;
	s5 =	simm.s32 @!p2 $0x0  }
0x1d: {  	s5 =	simm.s32 @p1 $0x1;
	p0 =	seq.s32 s7, s2  }
0x1e: {  	s7 =	smul.u32 @!p0 $0xF7A, s2;
	p2 =	seq.s32 @!p0 s5, $0x0  }
0x1f: {  	s9 =	smul.u32 $0xF7A, s1;
	s8 =	simm.s32 @!p0 $0x1BF5;
	p2 =	por !p2, p0  }
0x20: {  	[sflag:s8] =	ssyncset.s32 @!p0 $0xFFFFF086;
	s6 =	sadd.s32 @!p0 s3, s7;
	s7 =	simm.s32 @!p0 $0x108  }
0x21: {  	s3 =	sadd.s32 s3, s9;
	s6 =	sadd.s32 @!p0 $0x88, s6;
	s7 =	simm.s32 @p2 $0x1082  }
0x22: {  	[simem:s7], [sflag:s8] =	dma.local @!p0 [hbm:s6], $0xF7A  }
0x23: {  	s9 =	sor.u32 $0xD0000000, s2;
	s6 =	simm.s32 $0x108;
	_ =	swait.ge @!p0 [sflag:s8], $0x0  }
0x24: {  	s3 =	sadd.s32 $0x88, s3;
	s6 =	simm.s32 @!p1 $0x1082;
	[sflag:s4] =	ssyncset.s32 $0xFFFFF086  }
0x25: {  	[simem:s6], [sflag:s4] =	dma.local [hbm:s3], $0xF7A  }
0x26: {  	[smem:$0x3F9F] =	sst s1;
	(tag) =	ssettag s2;
	_ =	strace s9  }
0x27: {  	s1 =	sld [smem:$0x3FAF]  }
0x28: {  	s2 =	sld [smem:$0x3FB0]  }
0x29: {  	s4 =	sld [smem:$0x3FB2]  }
0x2a: {  	p0 =	seq.s32 s5, $0x0;
	s5 =	sld [smem:$0x3FB3]  }
0x2b: {  	s6 =	sld [smem:$0x3FB4]  }
0x2c: {  	s7 =	sld [smem:$0x3FB5]  }
0x2d: {  	s3 =	simm.s32 $0x108;
	s8 =	sld [smem:$0x3FB6]  }
0x2e: {  	s3 =	simm.s32 @!p0 $0x1082;
	s9 =	sld [smem:$0x3FB7]  }
0x2f: {  	lr =	sadd.s32 s0, s3;
	s0 =	sld [smem:$0x3FAE]  }
0x30: {  	s3 =	sld [smem:$0x3FB1]  }
0x31: {  	[smem:$0x3FBA] =	sst s10  }
0x32: {  	s10 =	sld [smem:$0x3FB8];
	_ =	sdelay $0x3  }
0x33: {  	p0 =	seq.s32 s10, $0x1;
	s10 =	sld [smem:$0x3FBA];
	_ =	sdelay $0x3  }
0x34: {  	[smem:$0x3FBA] =	sst s10  }
0x35: {  	s10 =	sld [smem:$0x3FB9];
	_ =	sdelay $0x3  }
0x36: {  	p1 =	seq.s32 s10, $0x1;
	s10 =	sld [smem:$0x3FBA];
	_ =	sdelay $0x3  }
0x37: {  	[smem:$0x3FBA] =	sst s10  }
0x38: {  	s10 =	sld [smem:$0x3FBB]  }
0x39: {  	_ = 	snop;
	(pc) =	sbr.ind lr, $3  }
0x3a: {  	_ = 	snop  }
0x3b: {  	_ = 	snop  }
0x3c: {  	p2 =	seq.s32 s10, $0x1;
	s10 =	sld [smem:$0x3FBA]  }
0x3d: {  	_ =	shalt  }
0x3e: {  	_ =	shalt  }
0x3f: {  	_ =	shalt  }
0x40: {  	_ =	shalt  }
0x41: {  	_ =	shalt  }
0x42: {  	_ =	shalt  }
0x43: {  	_ =	shalt  }
0x44: {  	_ =	shalt  }
0x45: {  	_ =	shalt  }
0x46: {  	_ =	shalt  }
0x47: {  	_ =	shalt  }
0x48: {  	_ =	shalt  }
0x49: {  	_ =	shalt  }
0x4a: {  	_ =	shalt  }
0x4b: {  	_ =	shalt  }
0x4c: {  	_ =	shalt  }
0x4d: {  	_ =	shalt  }
0x4e: {  	_ =	shalt  }
0x4f: {  	_ =	shalt  }
0x50: {  	_ =	shalt  }
0x51: {  	_ =	shalt  }
0x52: {  	_ =	shalt  }
0x53: {  	_ =	shalt  }
0x54: {  	_ =	shalt  }
0x55: {  	_ =	shalt  }
0x56: {  	_ =	shalt  }
0x57: {  	_ =	shalt  }
0x58: {  	_ =	shalt  }
0x59: {  	_ =	shalt  }
0x5a: {  	_ =	shalt  }
0x5b: {  	_ =	shalt  }
0x5c: {  	_ =	shalt  }
0x5d: {  	_ =	shalt  }
0x5e: {  	_ =	shalt  }
0x5f: {  	_ =	shalt  }
0x60: {  	_ =	shalt  }
0x61: {  	_ =	shalt  }
0x62: {  	_ =	shalt  }
0x63: {  	_ =	shalt  }
0x64: {  	_ =	shalt  }
0x65: {  	_ =	shalt  }
0x66: {  	_ =	shalt  }
0x67: {  	_ =	shalt  }
0x68: {  	_ =	shalt  }
0x69: {  	_ =	shalt  }
0x6a: {  	_ =	shalt  }
0x6b: {  	_ =	shalt  }
0x6c: {  	_ =	shalt  }
0x6d: {  	_ =	shalt  }
0x6e: {  	_ =	shalt  }
0x6f: {  	_ =	shalt  }
0x70: {  	_ =	shalt  }
0x71: {  	_ =	shalt  }
0x72: {  	_ =	shalt  }
0x73: {  	_ =	shalt  }
0x74: {  	_ =	shalt  }
0x75: {  	_ =	shalt  }
0x76: {  	_ =	shalt  }
0x77: {  	_ =	shalt  }
0x78: {  	_ =	shalt  }
0x79: {  	_ =	shalt  }
0x7a: {  	_ =	shalt  }
0x7b: {  	_ =	shalt  }
0x7c: {  	_ =	shalt  }
0x7d: {  	_ =	shalt  }
0x7e: {  	_ =	shalt  }
0x7f: {  	_ =	shalt  }
0x80: {  	_ =	shalt  }
0x81: {  	_ =	shalt  }
0x82: {  	_ =	shalt  }
0x83: {  	_ =	shalt  }
0x84: {  	_ =	shalt  }
0x85: {  	_ =	shalt  }
0x86: {  	_ =	shalt  }
0x87: {  	_ =	shalt  }
.Lfunc_end0:
.L_simem_size_0:
called_computation_lowered:
.L_overlay_start_0:
0x88: {  	s0 =	sld [smem:$0x3FD9]  }
0x89: {  	s1 =	sld [smem:$0x3FFE];
	_ =	sdelay $0x3  }
0x8a: {  	s0 =	sadd.s32 s1, s0  }
0x8b: {  	[smem:$0x3FC6] =	sst s0  }
0x8c: {  	_ = 	snop  }
0x8d: {  	s0 =	sld [smem:$0x3FC9]  }
0x8e: {  	s16 =	sld [smem:$0x3FD0];
	(tm) =	ssettm $0x1  }
0x8f: {  	s2 =	sld [smem:$0x3FFB];
	_ =	sdelay $0x3  }
0x90: {  	_ =	strace s2  }
0x91: {  	s2 =	sld [smem:$0x3FFC];
	_ =	sdelay $0x3  }
0x92: {  	_ =	strace s2  }
0x93: {  	s2 =	sld [smem:$0x3FFD];
	_ =	sdelay $0x3  }
0x94: {  	_ =	strace s2  }
0x95: {  	_ =	strace $0x8FFFFFFF  }
0x96: {  	s17 =	sld [smem:$0x3FDB];
	_ =	sdelay $0x1  }
0x97: {  	s3 =	simm.s32 $_scs_section_size  }
0x98: {  	s4 =	simm.s32 $_size__tile_overlayer_lowered;
	s5 =	simm.s32 $_tile_overlayer_lowered  }
0x99: {  	s20 =	simm.s32 $0x1BFF;
	s19 =	sshll.u32 s5, $0x1;
	s2 =	sadd.s32 s3, s17  }
0x9a: {  	s6 =	simm.s32 $0x0;
	s18 =	sshll.u32 s4, $0x1;
	s4 =	sadd.s32 s19, s2  }
0x9b: {  	[timem:s6], [sflag:s20] =	dma.local [hbm:s4], s18  }
0x9c: {  	_ =	swait.ge [sflag:s20], s18  }
0x9d: {  	s3 =	ssub.s32 $0x0, s18;
	[sflag:s20] =	ssyncset.done $0x0  }
0x9e: {  	[sflag:s20] =	ssyncadd.s32 s3;
	_ =	sdelay $0x1  }
0x9f: {  	s21 =	simm.s32 $0x1B8B  }
0xa0: {  	_ =	swait.ge [sflag:s21], $0x1  }
0xa1: {  	[sflag:s21] =	ssyncset.done $0x0  }
0xa2: {  	s23 =	simm.s32 $0x1B8E;
	s22 =	sld [smem:$0x3FFE];
	[sflag:s21] =	ssyncadd.s32 $0xFFFFFFFF  }
0xa3: {  	s24 =	simm.s32 $execute0_lowered;
	[smem:$0x3FD2] =	sst s23  }
0xa4: {  	s4 =	sshll.u32 s24, $0x1;
	_ =	strace $0x80000046;
	[dreg:$0x1] =	wrdreg $0xFFFFFFFF  }
0xa5: {  	s25 =	simm.s32 $_size_execute0_lowered;
	s2 =	sadd.s32 s2, s4;
	[dreg:$0x0] =	wrdreg $0x0  }
0xa6: {  	s4 =	sshll.u32 s25, $0x1;
	[dreg:$0x2] =	wrdreg s2  }
0xa7: {  	[dreg:$0x3] =	wrdreg s4  }
0xa8: {  	[dreg:$0x4] =	wrdreg $0xC0  }
0xa9: {  	_ =	task [dreg:s6], $0x5FFFF  }
0xaa: {  	[dreg:$0x1] =	wrdreg $0xFFFFFFFF  }
0xab: {  	[dreg:$0x0] =	wrdreg $0x60  }
0xac: {  	[dreg:$0x2] =	wrdreg s0  }
0xad: {  	[dreg:$0x3] =	wrdreg s16  }
0xae: {  	[dreg:$0x4] =	wrdreg s22  }
0xaf: {  	[dreg:$0x5] =	wrdreg $0x9  }
0xb0: {  	_ =	task.clear_ibuf [dreg:s6], $0x6FFFF;
	_ =	strace $0x90000046  }
0xb1: {  	s26 =	simm.s32 $0x9;
	_ =	strace $0x80000048  }
0xb2: {  	_ =	swait.ge [sflag:s26], $0x1  }
0xb3: {  	[sflag:s26] =	ssyncadd.s32 $0xFFFFFFFF  }
0xb4: {  	_ =	strace $0x90000048  }
0xb5: {  	_ =	sfence  }
0xb6: {  	s28 =	sld [smem:$0x0];
	_ =	sdelay $0x1  }
0xb7: {  	s29 =	srdreg.scid  }
0xb8: {  	s30 =	sshll.u32 s29, $0xD;
	s31 =	sshrl.u32 s29, $0x2  }
0xb9: {  	s1 =	sand.u32 $0x1, s29;
	s2 =	sand.u32 $0x4000, s30;
	s0 =	sadd.s32 s31, s28  }
0xba: {  	s1 =	sor.u32 s2, s1;
	s0 =	sshll.u32 s0, $0x11  }
0xbb: {  	s0 =	sor.u32 s0, s1  }
0xbc: {  	s0 =	sadd.s32 $0x8F2B, s0  }
0xbd: {  	[sflag:s0] =	ssyncadd.remote.s32 $0x1  }
0xbe: {  	_ =	sfence.sel $0xFFFF  }
0xbf: {  	[dreg:$0x0] =	wrdreg $0xFFFFFFFF;
	(pc) =	sbr.abs _section_cstart, $3  }
0xc0: {  	[dreg:$0x1] =	wrdreg $0xFFFFFFFF  }
0xc1: {  	_ =	task.clear_ibuf [dreg:s6], $0x2FFFF;
	_ =	strace $0x9FFFFFFF  }
0xc2: {  	(tm) =	ssettm $0x7FFFFFFF  }
0xc3: {  	_ =	shalt  }
tec
execute0_lowered:
.L_overlay_start_1:
0x0: {  	(tag) =	ssettag $0x1  }
0x1: {  	s0 =	rddreg [dreg:$0x0]  }
0x2: {  	s1 =	rddreg [dreg:$0x1];
	s2 =	stileid.u32  }
0x3: {  	s3 =	rddreg [dreg:$0x2];
	p0 =	sgt.u32 s2, $0x2  }
0x4: {  	s4 =	rddreg [dreg:$0x3];
	s5 =	simm.s32 $0x0;
	p1 =	sgt.u32 @p0 s2, $0x5  }
0x5: {  	[smem:$0x7FF] =	sst s5;
	p1 =	por p1, !p0  }
0x6: {  	s5 =	sadd.s32 $0x3, s1;
	_ =	strace $0x80000047;
	s6 =	simm.s32 @!p1 $0x0  }
0x7: {  	[tilespmem:s6], [sflag:$0x2] =	stream.linear.gather @!p1 [hbm4b:s5+s6], $0x1A, $0x38;
	[tilespmem:$0x1C80] =	vst v63  }
0x8: {  	s5 =	simm.s32 @!p1 $0x2  }
0x9: {  	_ =	swait.ge @!p1 [sflag:s5], $0x1A  }
0xa: {  	[sflag:s5] =	ssyncset.done @!p1 $0x0  }
0xb: {  	s7 =	simm.s32 @!p1 $0x1A;
	s8 =	simm.s32 @!p1 $0x80;
	[sflag:s5] =	ssyncadd.s32 @!p1 $0xFFFFFFE6  }
0xc: {  	[tilespmem:s8], [sflag:$0x1] =	stream.indirect.gather @!p1 [hbm4b:s0+s7], $0x80, s6, s7, $0xb8;
	[tilespmem:$0x1C80] =	vst v63  }
0xd: {  	s6 =	simm.s32 @!p1 $0x1  }
0xe: {  	s31 =	sshll.u32 s2, $0x4;
	_ =	swait.ge @!p1 [sflag:s6], $0xD00  }
0xf: {  	s3 =	sadd.s32 s31, s3;
	[sflag:s6] =	ssyncset.done @!p1 $0x0  }
0x10: {  	s7 =	sadd.s32 $0xBD0, s3;
	[sflag:s6] =	ssyncadd.s32 @!p1 $0xFFFFF300;
	s6 =	simm.s32 @!p1 $0x200  }
0x11: {  	[hbm4b:s7+s8] =	stream.strided.scatter @!p1 [tilespmem:s8], [sflag:$0x2], $0xD00, s6, s8, $0x38;
	[tilespmem:$0x1C80] =	vst v63  }
0x12: {  	_ =	swait.ge @!p1 [sflag:s5], $0xD00  }
0x13: {  	[sflag:s5] =	ssyncset.done @!p1 $0x0  }
0x14: {  	[sflag:s5] =	ssyncadd.s32 @!p1 $0xFFFFF300;
	s5 =	simm.s32 @!p0 $0x0  }
0x15: {  	[tilespmem:s5], [sflag:$0x2] =	stream.linear.gather @!p0 [hbm4b:s1+s5], $0x18, $0x38;
	[tilespmem:$0x1C80] =	vst v63  }
0x16: {  	s1 =	simm.s32 @!p0 $0x2  }
0x17: {  	_ =	swait.ge @!p0 [sflag:s1], $0x18  }
0x18: {  	[sflag:s1] =	ssyncset.done @!p0 $0x0  }
0x19: {  	s6 =	simm.s32 @!p0 $0x18;
	s7 =	simm.s32 @!p0 $0x80;
	[sflag:s1] =	ssyncadd.s32 @!p0 $0xFFFFFFE8  }
0x1a: {  	[tilespmem:s7], [sflag:$0x1] =	stream.indirect.gather @!p0 [hbm4b:s0+s6], $0x80, s5, s6, $0xb8;
	[tilespmem:$0x1C80] =	vst v63  }
0x1b: {  	s0 =	simm.s32 @!p0 $0x1  }
0x1c: {  	_ =	swait.ge @!p0 [sflag:s0], $0xC00  }
0x1d: {  	[sflag:s0] =	ssyncset.done @!p0 $0x0  }
0x1e: {  	s3 =	sadd.s32 $0x600, s3;
	[sflag:s0] =	ssyncadd.s32 @!p0 $0xFFFFF400;
	s0 =	simm.s32 @!p0 $0x200  }
0x1f: {  	[hbm4b:s3+s7] =	stream.strided.scatter @!p0 [tilespmem:s7], [sflag:$0x2], $0xC00, s0, s7, $0x38;
	[tilespmem:$0x1C80] =	vst v63  }
0x20: {  	_ =	swait.ge @!p0 [sflag:s1], $0xC00  }
0x21: {  	[sflag:s1] =	ssyncset.done @!p0 $0x0  }
0x22: {  	[sflag:s1] =	ssyncadd.s32 @!p0 $0xFFFFF400  }
0x23: {  	_ =	sfence.sel $0x180000  }
0x24: {  	[bflag:$0x0] =	sbarrier.arrive $0xFFFF  }
0x25: {  	p0 =	sne.s32 s2, $0x0;
	_ =	strace $0x90000047  }
0x26: {  	s0 =	sadd.s32 @!p0 $0x100000, s4;
	[bflag:$0x2] =	sbarrier.arrive $0xFFFF  }
0x27: {  	[sflag:s0] =	ssyncadd.tile.s32 @!p0 $0x1;
	_ =	shalt  }
.Lfunc_end2:
_tile_overlayer_lowered:
.L_overlay_start_2:
0x28: {  	(tag) =	ssettag $0x2  }
0x29: {  	s0 =	rddreg [dreg:$0x0];
	s2 =	stileid.u32  }
0x2a: {  	s1 =	rddreg [dreg:$0x1];
	p0 =	sne.s32 s2, $0x0  }
0x2b: {  	s3 =	rddreg [dreg:$0x2];
	[bflag:$0x3] =	sbarrier.arrive $0xFFFF;
	s2 =	simm.s32 @!p0 $0x1C02  }
0x2c: {  	[timem:s3], [sflag:s2] =	dma.local @!p0 [hbm:s0], s1  }
0x2d: {  	s0 =	simm.s32 @!p0 $0x2  }
0x2e: {  	_ =	swait.ge @!p0 [sflag:s0], s1  }
0x2f: {  	s1 =	ssub.s32 @!p0 $0x0, s1;
	[sflag:s0] =	ssyncset.done @!p0 $0x0  }
0x30: {  	[sflag:s0] =	ssyncadd.s32 @!p0 s1  }
0x31: {  	[bflag:$0x3] =	sbarrier.arrive $0xFFFF  }
0x32: {  	_ =	shalt  }

</sc_bundles>
